<compile_context>
chip_gen: v7x
topology: tpu7x:2x2x1
jax: 0.10.2.dev20260603
libtpu: 0.0.44.dev20260713+nightly
codegen_flags: <defaults>
</compile_context>

<pallas_src>
import functools

import jax
import jax.numpy as jnp
from jax import lax
from jax.experimental import pallas as pl
from jax.experimental.pallas import tpu as pltpu
from jax.experimental.pallas import tpu_sc as plsc

N_TOKENS = 16384
NUM_EXP = 8
NUM_CORES = 1
NUM_SUBCORES = 16
NUM_WORKERS = NUM_CORES * NUM_SUBCORES
W_PER_EXP = NUM_WORKERS // NUM_EXP
CHUNK = N_TOKENS // W_PER_EXP
LANES = 16
VREGS_PER_CHUNK = CHUNK // LANES

_mesh = plsc.VectorSubcoreMesh(core_axis_name="c", subcore_axis_name="s", num_cores=1)


@functools.partial(
    pl.kernel,
    mesh=_mesh,
    out_type=jax.ShapeDtypeStruct((NUM_EXP, N_TOKENS), jnp.float32),
    scratch_types=[
        pltpu.VMEM((CHUNK,), jnp.float32),
        pltpu.VMEM((LANES,), jnp.float32),
        pltpu.SemaphoreType.DMA,
        pltpu.SemaphoreType.DMA,
        pltpu.SemaphoreType.DMA,
    ],
)
def _masked_routing_sc(rt_hbm, m_hbm, out_hbm, buf, mask_vmem, m_sem, d_sem,
                       o_sem):
    wid = lax.axis_index("s") * NUM_CORES + lax.axis_index("c")
    exp = wid // W_PER_EXP
    base = (wid % W_PER_EXP) * CHUNK
    nq = 4
    quarter = CHUNK // nq
    m0 = pltpu.async_copy(m_hbm, mask_vmem.at[pl.ds(0, NUM_EXP)], m_sem)
    m1 = pltpu.async_copy(m_hbm, mask_vmem.at[pl.ds(NUM_EXP, NUM_EXP)], m_sem)
    din = [
        pltpu.async_copy(rt_hbm.at[exp, pl.ds(base + q * quarter, quarter)],
                         buf.at[pl.ds(q * quarter, quarter)], d_sem)
        for q in range(nq)
    ]
    m0.wait()
    m1.wait()
    mask = mask_vmem[...].at[jnp.full((LANES,), exp, dtype=jnp.int32)].get(
        mode="promise_in_bounds")

    dout = []
    for q in range(nq):
        din[q].wait()

        @plsc.parallel_loop(q * quarter, (q + 1) * quarter, step=LANES,
                            unroll=8)
        def _scale(i):
            buf[pl.ds(i, LANES)] = buf[pl.ds(i, LANES)] * mask

        dout.append(
            pltpu.async_copy(buf.at[pl.ds(q * quarter, quarter)],
                             out_hbm.at[exp, pl.ds(base + q * quarter, quarter)],
                             o_sem))
    for c in dout:
        c.wait()


def kernel(x, router_outputs, expert_masks):
    del x
    out_t = _masked_routing_sc(router_outputs.T, expert_masks)
    return out_t.T

# --- scband reference (transcript-rebuilt; emitter-appended) ---
"""Pipeline reference for scband-sparse-mo-e-45354854645794 (READ-ONLY COPY).

The authoritative reference and input builder live on the scoring server;
editing this copy changes nothing except your own understanding.
"""

import jax, jax.numpy as jnp
import numpy as np

NUM_EXPERTS = 8
N_TOKENS = 16384
D_MODEL = 2048


def setup_inputs(seed: int = 0) -> dict:
    key = jax.random.key(seed)
    k1, k2 = jax.random.split(key)
    x = jax.random.normal(k1, (N_TOKENS, D_MODEL), dtype=jnp.float32)
    router_outputs = jax.random.uniform(k2, (N_TOKENS, NUM_EXPERTS), dtype=jnp.float32)
    # learned parameter: expert_masks initialized to ones, per SparseMoE.__init__
    expert_masks = jnp.ones((NUM_EXPERTS,), dtype=jnp.float32)
    return {"x": x, "router_outputs": router_outputs, "expert_masks": expert_masks}


def reference(x, router_outputs, expert_masks):
    # Faithful translation of SparseMoE.forward:
    #   masked_routing = router_outputs * self.expert_masks
    #   return masked_routing
    masked_routing = router_outputs * expert_masks
    return masked_routing

if __name__ == "__main__":
    import jax
    _d = setup_inputs()
    print(jax.jit(kernel)(*tuple(_d.values())))

</pallas_src>

<mosaic_0001>
#map = affine_map<(d0, d1) -> (0, 0)>
#map1 = affine_map<(d0, d1) -> (0)>
module attributes {stable_mosaic.version = 14 : i64} {
  func.func @_masked_routing_sc(%arg0: i32, %arg1: i32, %arg2: memref<8x16384xf32, #tpu.memory_space<hbm>>, %arg3: memref<8xf32, #tpu.memory_space<hbm>>, %arg4: memref<8x16384xf32, #tpu.memory_space<hbm>>, %arg5: memref<8192xf32, #tpu.memory_space<vmem>>, %arg6: memref<16xf32, #tpu.memory_space<vmem>>, %arg7: memref<!tpu.dma_semaphore, #tpu.memory_space<semaphore_mem>>, %arg8: memref<!tpu.dma_semaphore, #tpu.memory_space<semaphore_mem>>, %arg9: memref<!tpu.dma_semaphore, #tpu.memory_space<semaphore_mem>>) attributes {dimension_semantics = [#tpu.dimension_semantics<core_parallel>, #tpu.dimension_semantics<subcore_parallel>], iteration_bounds = array<i64: 1, 16>, scalar_prefetch = 0 : i64, scratch_operands = 5 : i64, tpu.core_type = #tpu.core_type<sc_vector_subcore>, window_params = [{transform_indices = #map}, {transform_indices = #map1}, {transform_indices = #map}]} {
    %mul3A = arith.constant 1 : i32
    %mul3A_0 = arith.muli %arg1, %mul3A : i32
    %add3A = arith.addi %mul3A_0, %arg0 : i32
    %jit3A = arith.constant 2 : i32
    %div3A = arith.divsi %add3A, %jit3A : i32
    %sign3A = arith.constant 0 : i32
    %sign3A_1 = arith.cmpi sgt, %add3A, %sign3A : i32
    %sign3A_2 = arith.extui %sign3A_1 : i1 to i32
    %sign3A_3 = arith.constant 0 : i32
    %sign3A_4 = arith.cmpi slt, %add3A, %sign3A_3 : i32
    %sign3A_5 = arith.extui %sign3A_4 : i1 to i32
    %sign3A_6 = arith.subi %sign3A_2, %sign3A_5 : i32
    %sign3A_7 = arith.constant 0 : i32
    %sign3A_8 = arith.cmpi sgt, %jit3A, %sign3A_7 : i32
    %sign3A_9 = arith.extui %sign3A_8 : i1 to i32
    %sign3A_10 = arith.constant 0 : i32
    %sign3A_11 = arith.cmpi slt, %jit3A, %sign3A_10 : i32
    %sign3A_12 = arith.extui %sign3A_11 : i1 to i32
    %sign3A_13 = arith.subi %sign3A_9, %sign3A_12 : i32
    %ne3A = arith.cmpi ne, %sign3A_6, %sign3A_13 : i32
    %rem3A = arith.remsi %add3A, %jit3A : i32
    %ne3A_14 = arith.constant 0 : i32
    %ne3A_15 = arith.cmpi ne, %rem3A, %ne3A_14 : i32
    %and3A = arith.andi %ne3A, %ne3A_15 : i1
    %sub3A = arith.constant 1 : i32
    %sub3A_16 = arith.subi %div3A, %sub3A : i32
    %select_n3A = arith.select %and3A, %sub3A_16, %div3A : i32
    %jit3A_17 = arith.constant 2 : i32
    %eq3A = arith.constant 0 : i32
    %eq3A_18 = arith.cmpi eq, %jit3A_17, %eq3A : i32
    %jit3A_19 = arith.constant 1 : i32
    %select_n3A_20 = arith.select %eq3A_18, %jit3A_19, %jit3A_17 : i32
    %rem3A_21 = arith.remsi %add3A, %select_n3A_20 : i32
    %ne3A_22 = arith.constant 0 : i32
    %ne3A_23 = arith.cmpi ne, %rem3A_21, %ne3A_22 : i32
    %lt3A = arith.constant 0 : i32
    %lt3A_24 = arith.cmpi slt, %rem3A_21, %lt3A : i32
    %lt3A_25 = arith.constant 0 : i32
    %lt3A_26 = arith.cmpi slt, %select_n3A_20, %lt3A_25 : i32
    %ne3A_27 = arith.xori %lt3A_24, %lt3A_26 : i1
    %and3A_28 = arith.andi %ne3A_27, %ne3A_23 : i1
    %add3A_29 = arith.addi %rem3A_21, %select_n3A_20 : i32
    %select_n3A_30 = arith.select %and3A_28, %add3A_29, %rem3A_21 : i32
    %mul3A_31 = arith.constant 8192 : i32
    %mul3A_32 = arith.muli %select_n3A_30, %mul3A_31 : i32
    %dma_start3A = arith.constant 0 : i32
    %dma_start3A_33 = tpu.memref_slice %arg6[%dma_start3A] : memref<16xf32, #tpu.memory_space<vmem>> -> memref<8xf32, #tpu.memory_space<vmem>>
    %dma_start3A_34 = arith.constant 0 : i32
    %dma_start3A_35 = tpu.memref_slice %arg6[%dma_start3A_34] : memref<16xf32, #tpu.memory_space<vmem>> -> memref<8xf32, #tpu.memory_space<vmem>>
    tpu.enqueue_dma source(%arg3 : memref<8xf32, #tpu.memory_space<hbm>>) target(%dma_start3A_35 : memref<8xf32, #tpu.memory_space<vmem>>) target_semaphore(%arg7 : memref<!tpu.dma_semaphore, #tpu.memory_space<semaphore_mem>>)
    %dma_start3A_36 = arith.constant 8 : i32
    %dma_start3A_37 = tpu.memref_slice %arg6[%dma_start3A_36] : memref<16xf32, #tpu.memory_space<vmem>> -> memref<8xf32, #tpu.memory_space<vmem>>
    %dma_start3A_38 = arith.constant 8 : i32
    %dma_start3A_39 = tpu.memref_slice %arg6[%dma_start3A_38] : memref<16xf32, #tpu.memory_space<vmem>> -> memref<8xf32, #tpu.memory_space<vmem>>
    tpu.enqueue_dma source(%arg3 : memref<8xf32, #tpu.memory_space<hbm>>) target(%dma_start3A_39 : memref<8xf32, #tpu.memory_space<vmem>>) target_semaphore(%arg7 : memref<!tpu.dma_semaphore, #tpu.memory_space<semaphore_mem>>)
    %add3A_40 = arith.constant 0 : i32
    %add3A_41 = arith.addi %mul3A_32, %add3A_40 : i32
    %dma_start3A_42 = arith.constant 0 : i32
    %dma_start3A_43 = tpu.memref_slice %arg5[%dma_start3A_42] : memref<8192xf32, #tpu.memory_space<vmem>> -> memref<2048xf32, #tpu.memory_space<vmem>>
    %dma_start3A_44 = tpu.memref_slice %arg2[%select_n3A, %add3A_41] : memref<8x16384xf32, #tpu.memory_space<hbm>> -> memref<1x2048xf32, #tpu.memory_space<hbm>>
    %dma_start3A_45 = tpu.memref_squeeze %dma_start3A_44 : memref<1x2048xf32, #tpu.memory_space<hbm>> -> memref<2048xf32, #tpu.memory_space<hbm>>
    %dma_start3A_46 = arith.constant 0 : i32
    %dma_start3A_47 = tpu.memref_slice %arg5[%dma_start3A_46] : memref<8192xf32, #tpu.memory_space<vmem>> -> memref<2048xf32, #tpu.memory_space<vmem>>
    %dma_start3A_48 = tpu.memref_slice %arg2[%select_n3A, %add3A_41] : memref<8x16384xf32, #tpu.memory_space<hbm>> -> memref<1x2048xf32, #tpu.memory_space<hbm>>
    %dma_start3A_49 = tpu.memref_squeeze %dma_start3A_48 : memref<1x2048xf32, #tpu.memory_space<hbm>> -> memref<2048xf32, #tpu.memory_space<hbm>>
    tpu.enqueue_dma source(%dma_start3A_49 : memref<2048xf32, #tpu.memory_space<hbm>>) target(%dma_start3A_47 : memref<2048xf32, #tpu.memory_space<vmem>>) target_semaphore(%arg8 : memref<!tpu.dma_semaphore, #tpu.memory_space<semaphore_mem>>)
    %add3A_50 = arith.constant 2048 : i32
    %add3A_51 = arith.addi %mul3A_32, %add3A_50 : i32
    %dma_start3A_52 = arith.constant 2048 : i32
    %dma_start3A_53 = tpu.memref_slice %arg5[%dma_start3A_52] : memref<8192xf32, #tpu.memory_space<vmem>> -> memref<2048xf32, #tpu.memory_space<vmem>>
    %dma_start3A_54 = tpu.memref_slice %arg2[%select_n3A, %add3A_51] : memref<8x16384xf32, #tpu.memory_space<hbm>> -> memref<1x2048xf32, #tpu.memory_space<hbm>>
    %dma_start3A_55 = tpu.memref_squeeze %dma_start3A_54 : memref<1x2048xf32, #tpu.memory_space<hbm>> -> memref<2048xf32, #tpu.memory_space<hbm>>
    %dma_start3A_56 = arith.constant 2048 : i32
    %dma_start3A_57 = tpu.memref_slice %arg5[%dma_start3A_56] : memref<8192xf32, #tpu.memory_space<vmem>> -> memref<2048xf32, #tpu.memory_space<vmem>>
    %dma_start3A_58 = tpu.memref_slice %arg2[%select_n3A, %add3A_51] : memref<8x16384xf32, #tpu.memory_space<hbm>> -> memref<1x2048xf32, #tpu.memory_space<hbm>>
    %dma_start3A_59 = tpu.memref_squeeze %dma_start3A_58 : memref<1x2048xf32, #tpu.memory_space<hbm>> -> memref<2048xf32, #tpu.memory_space<hbm>>
    tpu.enqueue_dma source(%dma_start3A_59 : memref<2048xf32, #tpu.memory_space<hbm>>) target(%dma_start3A_57 : memref<2048xf32, #tpu.memory_space<vmem>>) target_semaphore(%arg8 : memref<!tpu.dma_semaphore, #tpu.memory_space<semaphore_mem>>)
    %add3A_60 = arith.constant 4096 : i32
    %add3A_61 = arith.addi %mul3A_32, %add3A_60 : i32
    %dma_start3A_62 = arith.constant 4096 : i32
    %dma_start3A_63 = tpu.memref_slice %arg5[%dma_start3A_62] : memref<8192xf32, #tpu.memory_space<vmem>> -> memref<2048xf32, #tpu.memory_space<vmem>>
    %dma_start3A_64 = tpu.memref_slice %arg2[%select_n3A, %add3A_61] : memref<8x16384xf32, #tpu.memory_space<hbm>> -> memref<1x2048xf32, #tpu.memory_space<hbm>>
    %dma_start3A_65 = tpu.memref_squeeze %dma_start3A_64 : memref<1x2048xf32, #tpu.memory_space<hbm>> -> memref<2048xf32, #tpu.memory_space<hbm>>
    %dma_start3A_66 = arith.constant 4096 : i32
    %dma_start3A_67 = tpu.memref_slice %arg5[%dma_start3A_66] : memref<8192xf32, #tpu.memory_space<vmem>> -> memref<2048xf32, #tpu.memory_space<vmem>>
    %dma_start3A_68 = tpu.memref_slice %arg2[%select_n3A, %add3A_61] : memref<8x16384xf32, #tpu.memory_space<hbm>> -> memref<1x2048xf32, #tpu.memory_space<hbm>>
    %dma_start3A_69 = tpu.memref_squeeze %dma_start3A_68 : memref<1x2048xf32, #tpu.memory_space<hbm>> -> memref<2048xf32, #tpu.memory_space<hbm>>
    tpu.enqueue_dma source(%dma_start3A_69 : memref<2048xf32, #tpu.memory_space<hbm>>) target(%dma_start3A_67 : memref<2048xf32, #tpu.memory_space<vmem>>) target_semaphore(%arg8 : memref<!tpu.dma_semaphore, #tpu.memory_space<semaphore_mem>>)
    %add3A_70 = arith.constant 6144 : i32
    %add3A_71 = arith.addi %mul3A_32, %add3A_70 : i32
    %dma_start3A_72 = arith.constant 6144 : i32
    %dma_start3A_73 = tpu.memref_slice %arg5[%dma_start3A_72] : memref<8192xf32, #tpu.memory_space<vmem>> -> memref<2048xf32, #tpu.memory_space<vmem>>
    %dma_start3A_74 = tpu.memref_slice %arg2[%select_n3A, %add3A_71] : memref<8x16384xf32, #tpu.memory_space<hbm>> -> memref<1x2048xf32, #tpu.memory_space<hbm>>
    %dma_start3A_75 = tpu.memref_squeeze %dma_start3A_74 : memref<1x2048xf32, #tpu.memory_space<hbm>> -> memref<2048xf32, #tpu.memory_space<hbm>>
    %dma_start3A_76 = arith.constant 6144 : i32
    %dma_start3A_77 = tpu.memref_slice %arg5[%dma_start3A_76] : memref<8192xf32, #tpu.memory_space<vmem>> -> memref<2048xf32, #tpu.memory_space<vmem>>
    %dma_start3A_78 = tpu.memref_slice %arg2[%select_n3A, %add3A_71] : memref<8x16384xf32, #tpu.memory_space<hbm>> -> memref<1x2048xf32, #tpu.memory_space<hbm>>
    %dma_start3A_79 = tpu.memref_squeeze %dma_start3A_78 : memref<1x2048xf32, #tpu.memory_space<hbm>> -> memref<2048xf32, #tpu.memory_space<hbm>>
    tpu.enqueue_dma source(%dma_start3A_79 : memref<2048xf32, #tpu.memory_space<hbm>>) target(%dma_start3A_77 : memref<2048xf32, #tpu.memory_space<vmem>>) target_semaphore(%arg8 : memref<!tpu.dma_semaphore, #tpu.memory_space<semaphore_mem>>)
    %dma_wait3A = arith.constant 0 : i32
    %dma_wait3A_80 = tpu.memref_slice %arg6[%dma_wait3A] : memref<16xf32, #tpu.memory_space<vmem>> -> memref<8xf32, #tpu.memory_space<vmem>>
    %dma_wait3A_81 = arith.constant 0 : i32
    %dma_wait3A_82 = tpu.memref_slice %arg6[%dma_wait3A_81] : memref<16xf32, #tpu.memory_space<vmem>> -> memref<8xf32, #tpu.memory_space<vmem>>
    tpu.wait_dma2 semaphore(%arg7 : memref<!tpu.dma_semaphore, #tpu.memory_space<semaphore_mem>>) src(%arg3 : memref<8xf32, #tpu.memory_space<hbm>>) dst(%dma_wait3A_82 : memref<8xf32, #tpu.memory_space<vmem>>)
    %dma_wait3A_83 = arith.constant 8 : i32
    %dma_wait3A_84 = tpu.memref_slice %arg6[%dma_wait3A_83] : memref<16xf32, #tpu.memory_space<vmem>> -> memref<8xf32, #tpu.memory_space<vmem>>
    %dma_wait3A_85 = arith.constant 8 : i32
    %dma_wait3A_86 = tpu.memref_slice %arg6[%dma_wait3A_85] : memref<16xf32, #tpu.memory_space<vmem>> -> memref<8xf32, #tpu.memory_space<vmem>>
    tpu.wait_dma2 semaphore(%arg7 : memref<!tpu.dma_semaphore, #tpu.memory_space<semaphore_mem>>) src(%arg3 : memref<8xf32, #tpu.memory_space<hbm>>) dst(%dma_wait3A_86 : memref<8xf32, #tpu.memory_space<vmem>>)
    %get3A = arith.constant 0 : index
    %get3A_87 = tpu.vector_load %arg6[%get3A] {strides = array<i32>} : memref<16xf32, #tpu.memory_space<vmem>>, vector<16xf32>,
    %get3A_88 = vector.shape_cast %get3A_87 : vector<16xf32> to vector<16xf32>
    %broadcast_in_dim3A = vector.broadcast %select_n3A : i32 to vector<16xi32>
    %lt3A_89 = arith.constant 0 : i32
    %lt3A_90 = vector.broadcast %lt3A_89 : i32 to vector<16xi32>
    %lt3A_91 = arith.cmpi slt, %broadcast_in_dim3A, %lt3A_90 : vector<16xi32>
    %add3A_92 = arith.constant 16 : i32
    %add3A_93 = vector.broadcast %add3A_92 : i32 to vector<16xi32>
    %add3A_94 = arith.addi %broadcast_in_dim3A, %add3A_93 : vector<16xi32>
    %select_n3A_95 = arith.select %lt3A_91, %add3A_94, %broadcast_in_dim3A : vector<16xi1>, vector<16xi32>
    %broadcast_in_dim3A_96 = vector.shape_cast %select_n3A_95 : vector<16xi32> to vector<16x1xi32>
    %gather3A = vector.shape_cast %broadcast_in_dim3A_96 : vector<16x1xi32> to vector<16xi32>
    %gather3A_97 = tpu.dynamic_gather %get3A_88[%gather3A] in [0] : vector<16xf32>, vector<16xi32> -> vector<16xf32>
    %dma_wait3A_98 = arith.constant 0 : i32
    %dma_wait3A_99 = tpu.memref_slice %arg5[%dma_wait3A_98] : memref<8192xf32, #tpu.memory_space<vmem>> -> memref<2048xf32, #tpu.memory_space<vmem>>
    %dma_wait3A_100 = tpu.memref_slice %arg2[%select_n3A, %add3A_41] : memref<8x16384xf32, #tpu.memory_space<hbm>> -> memref<1x2048xf32, #tpu.memory_space<hbm>>
    %dma_wait3A_101 = tpu.memref_squeeze %dma_wait3A_100 : memref<1x2048xf32, #tpu.memory_space<hbm>> -> memref<2048xf32, #tpu.memory_space<hbm>>
    %dma_wait3A_102 = arith.constant 0 : i32
    %dma_wait3A_103 = tpu.memref_slice %arg5[%dma_wait3A_102] : memref<8192xf32, #tpu.memory_space<vmem>> -> memref<2048xf32, #tpu.memory_space<vmem>>
    %dma_wait3A_104 = tpu.memref_slice %arg2[%select_n3A, %add3A_41] : memref<8x16384xf32, #tpu.memory_space<hbm>> -> memref<1x2048xf32, #tpu.memory_space<hbm>>
    %dma_wait3A_105 = tpu.memref_squeeze %dma_wait3A_104 : memref<1x2048xf32, #tpu.memory_space<hbm>> -> memref<2048xf32, #tpu.memory_space<hbm>>
    tpu.wait_dma2 semaphore(%arg8 : memref<!tpu.dma_semaphore, #tpu.memory_space<semaphore_mem>>) src(%dma_wait3A_105 : memref<2048xf32, #tpu.memory_space<hbm>>) dst(%dma_wait3A_103 : memref<2048xf32, #tpu.memory_space<vmem>>)
    %parallel_loop3A = arith.constant 0 : i32
    %parallel_loop3A_106 = arith.constant 2048 : i32
    %parallel_loop3A_107 = arith.constant 16 : i32
    scf.for %parallel_loop3A_213 = %parallel_loop3A to %parallel_loop3A_106 step %parallel_loop3A_107  : i32 {
      %parallel_loop3A_214 = arith.index_cast %parallel_loop3A_213 : i32 to index
      %parallel_loop3A_215 = tpu.vector_load %arg5[%parallel_loop3A_214] {strides = array<i32>} : memref<8192xf32, #tpu.memory_space<vmem>>, vector<16xf32>,
      %parallel_loop3A_216 = vector.shape_cast %parallel_loop3A_215 : vector<16xf32> to vector<16xf32>
      %parallel_loop3A_217 = arith.mulf %parallel_loop3A_216, %gather3A_97 : vector<16xf32>
      %parallel_loop3A_218 = arith.index_cast %parallel_loop3A_213 : i32 to index
      %parallel_loop3A_219 = tpu.vector_load %arg5[%parallel_loop3A_218] {strides = array<i32>} : memref<8192xf32, #tpu.memory_space<vmem>>, vector<16xf32>,
      %parallel_loop3A_220 = vector.shape_cast %parallel_loop3A_219 : vector<16xf32> to vector<16xf32>
      %parallel_loop3A_221 = vector.shape_cast %parallel_loop3A_217 : vector<16xf32> to vector<16xf32>
      tpu.vector_store %arg5[%parallel_loop3A_218], %parallel_loop3A_221 {strides = array<i32>} : memref<8192xf32, #tpu.memory_space<vmem>>, vector<16xf32>,
    } {sc.loop_unroll_factor = 8 : i64, sc.parallel_access}
    %add3A_108 = arith.constant 0 : i32
    %add3A_109 = arith.addi %mul3A_32, %add3A_108 : i32
    %dma_start3A_110 = arith.constant 0 : i32
    %dma_start3A_111 = tpu.memref_slice %arg5[%dma_start3A_110] : memref<8192xf32, #tpu.memory_space<vmem>> -> memref<2048xf32, #tpu.memory_space<vmem>>
    %dma_start3A_112 = tpu.memref_slice %arg4[%select_n3A, %add3A_109] : memref<8x16384xf32, #tpu.memory_space<hbm>> -> memref<1x2048xf32, #tpu.memory_space<hbm>>
    %dma_start3A_113 = tpu.memref_squeeze %dma_start3A_112 : memref<1x2048xf32, #tpu.memory_space<hbm>> -> memref<2048xf32, #tpu.memory_space<hbm>>
    %dma_start3A_114 = tpu.memref_slice %arg4[%select_n3A, %add3A_109] : memref<8x16384xf32, #tpu.memory_space<hbm>> -> memref<1x2048xf32, #tpu.memory_space<hbm>>
    %dma_start3A_115 = tpu.memref_squeeze %dma_start3A_114 : memref<1x2048xf32, #tpu.memory_space<hbm>> -> memref<2048xf32, #tpu.memory_space<hbm>>
    %dma_start3A_116 = arith.constant 0 : i32
    %dma_start3A_117 = tpu.memref_slice %arg5[%dma_start3A_116] : memref<8192xf32, #tpu.memory_space<vmem>> -> memref<2048xf32, #tpu.memory_space<vmem>>
    tpu.enqueue_dma source(%dma_start3A_117 : memref<2048xf32, #tpu.memory_space<vmem>>) target(%dma_start3A_115 : memref<2048xf32, #tpu.memory_space<hbm>>) target_semaphore(%arg9 : memref<!tpu.dma_semaphore, #tpu.memory_space<semaphore_mem>>)
    %dma_wait3A_118 = arith.constant 2048 : i32
    %dma_wait3A_119 = tpu.memref_slice %arg5[%dma_wait3A_118] : memref<8192xf32, #tpu.memory_space<vmem>> -> memref<2048xf32, #tpu.memory_space<vmem>>
    %dma_wait3A_120 = tpu.memref_slice %arg2[%select_n3A, %add3A_51] : memref<8x16384xf32, #tpu.memory_space<hbm>> -> memref<1x2048xf32, #tpu.memory_space<hbm>>
    %dma_wait3A_121 = tpu.memref_squeeze %dma_wait3A_120 : memref<1x2048xf32, #tpu.memory_space<hbm>> -> memref<2048xf32, #tpu.memory_space<hbm>>
    %dma_wait3A_122 = arith.constant 2048 : i32
    %dma_wait3A_123 = tpu.memref_slice %arg5[%dma_wait3A_122] : memref<8192xf32, #tpu.memory_space<vmem>> -> memref<2048xf32, #tpu.memory_space<vmem>>
    %dma_wait3A_124 = tpu.memref_slice %arg2[%select_n3A, %add3A_51] : memref<8x16384xf32, #tpu.memory_space<hbm>> -> memref<1x2048xf32, #tpu.memory_space<hbm>>
    %dma_wait3A_125 = tpu.memref_squeeze %dma_wait3A_124 : memref<1x2048xf32, #tpu.memory_space<hbm>> -> memref<2048xf32, #tpu.memory_space<hbm>>
    tpu.wait_dma2 semaphore(%arg8 : memref<!tpu.dma_semaphore, #tpu.memory_space<semaphore_mem>>) src(%dma_wait3A_125 : memref<2048xf32, #tpu.memory_space<hbm>>) dst(%dma_wait3A_123 : memref<2048xf32, #tpu.memory_space<vmem>>)
    %parallel_loop3A_126 = arith.constant 2048 : i32
    %parallel_loop3A_127 = arith.constant 4096 : i32
    %parallel_loop3A_128 = arith.constant 16 : i32
    scf.for %parallel_loop3A_213 = %parallel_loop3A_126 to %parallel_loop3A_127 step %parallel_loop3A_128  : i32 {
      %parallel_loop3A_214 = arith.index_cast %parallel_loop3A_213 : i32 to index
      %parallel_loop3A_215 = tpu.vector_load %arg5[%parallel_loop3A_214] {strides = array<i32>} : memref<8192xf32, #tpu.memory_space<vmem>>, vector<16xf32>,
      %parallel_loop3A_216 = vector.shape_cast %parallel_loop3A_215 : vector<16xf32> to vector<16xf32>
      %parallel_loop3A_217 = arith.mulf %parallel_loop3A_216, %gather3A_97 : vector<16xf32>
      %parallel_loop3A_218 = arith.index_cast %parallel_loop3A_213 : i32 to index
      %parallel_loop3A_219 = tpu.vector_load %arg5[%parallel_loop3A_218] {strides = array<i32>} : memref<8192xf32, #tpu.memory_space<vmem>>, vector<16xf32>,
      %parallel_loop3A_220 = vector.shape_cast %parallel_loop3A_219 : vector<16xf32> to vector<16xf32>
      %parallel_loop3A_221 = vector.shape_cast %parallel_loop3A_217 : vector<16xf32> to vector<16xf32>
      tpu.vector_store %arg5[%parallel_loop3A_218], %parallel_loop3A_221 {strides = array<i32>} : memref<8192xf32, #tpu.memory_space<vmem>>, vector<16xf32>,
    } {sc.loop_unroll_factor = 8 : i64, sc.parallel_access}
    %add3A_129 = arith.constant 2048 : i32
    %add3A_130 = arith.addi %mul3A_32, %add3A_129 : i32
    %dma_start3A_131 = arith.constant 2048 : i32
    %dma_start3A_132 = tpu.memref_slice %arg5[%dma_start3A_131] : memref<8192xf32, #tpu.memory_space<vmem>> -> memref<2048xf32, #tpu.memory_space<vmem>>
    %dma_start3A_133 = tpu.memref_slice %arg4[%select_n3A, %add3A_130] : memref<8x16384xf32, #tpu.memory_space<hbm>> -> memref<1x2048xf32, #tpu.memory_space<hbm>>
    %dma_start3A_134 = tpu.memref_squeeze %dma_start3A_133 : memref<1x2048xf32, #tpu.memory_space<hbm>> -> memref<2048xf32, #tpu.memory_space<hbm>>
    %dma_start3A_135 = tpu.memref_slice %arg4[%select_n3A, %add3A_130] : memref<8x16384xf32, #tpu.memory_space<hbm>> -> memref<1x2048xf32, #tpu.memory_space<hbm>>
    %dma_start3A_136 = tpu.memref_squeeze %dma_start3A_135 : memref<1x2048xf32, #tpu.memory_space<hbm>> -> memref<2048xf32, #tpu.memory_space<hbm>>
    %dma_start3A_137 = arith.constant 2048 : i32
    %dma_start3A_138 = tpu.memref_slice %arg5[%dma_start3A_137] : memref<8192xf32, #tpu.memory_space<vmem>> -> memref<2048xf32, #tpu.memory_space<vmem>>
    tpu.enqueue_dma source(%dma_start3A_138 : memref<2048xf32, #tpu.memory_space<vmem>>) target(%dma_start3A_136 : memref<2048xf32, #tpu.memory_space<hbm>>) target_semaphore(%arg9 : memref<!tpu.dma_semaphore, #tpu.memory_space<semaphore_mem>>)
    %dma_wait3A_139 = arith.constant 4096 : i32
    %dma_wait3A_140 = tpu.memref_slice %arg5[%dma_wait3A_139] : memref<8192xf32, #tpu.memory_space<vmem>> -> memref<2048xf32, #tpu.memory_space<vmem>>
    %dma_wait3A_141 = tpu.memref_slice %arg2[%select_n3A, %add3A_61] : memref<8x16384xf32, #tpu.memory_space<hbm>> -> memref<1x2048xf32, #tpu.memory_space<hbm>>
    %dma_wait3A_142 = tpu.memref_squeeze %dma_wait3A_141 : memref<1x2048xf32, #tpu.memory_space<hbm>> -> memref<2048xf32, #tpu.memory_space<hbm>>
    %dma_wait3A_143 = arith.constant 4096 : i32
    %dma_wait3A_144 = tpu.memref_slice %arg5[%dma_wait3A_143] : memref<8192xf32, #tpu.memory_space<vmem>> -> memref<2048xf32, #tpu.memory_space<vmem>>
    %dma_wait3A_145 = tpu.memref_slice %arg2[%select_n3A, %add3A_61] : memref<8x16384xf32, #tpu.memory_space<hbm>> -> memref<1x2048xf32, #tpu.memory_space<hbm>>
    %dma_wait3A_146 = tpu.memref_squeeze %dma_wait3A_145 : memref<1x2048xf32, #tpu.memory_space<hbm>> -> memref<2048xf32, #tpu.memory_space<hbm>>
    tpu.wait_dma2 semaphore(%arg8 : memref<!tpu.dma_semaphore, #tpu.memory_space<semaphore_mem>>) src(%dma_wait3A_146 : memref<2048xf32, #tpu.memory_space<hbm>>) dst(%dma_wait3A_144 : memref<2048xf32, #tpu.memory_space<vmem>>)
    %parallel_loop3A_147 = arith.constant 4096 : i32
    %parallel_loop3A_148 = arith.constant 6144 : i32
    %parallel_loop3A_149 = arith.constant 16 : i32
    scf.for %parallel_loop3A_213 = %parallel_loop3A_147 to %parallel_loop3A_148 step %parallel_loop3A_149  : i32 {
      %parallel_loop3A_214 = arith.index_cast %parallel_loop3A_213 : i32 to index
      %parallel_loop3A_215 = tpu.vector_load %arg5[%parallel_loop3A_214] {strides = array<i32>} : memref<8192xf32, #tpu.memory_space<vmem>>, vector<16xf32>,
      %parallel_loop3A_216 = vector.shape_cast %parallel_loop3A_215 : vector<16xf32> to vector<16xf32>
      %parallel_loop3A_217 = arith.mulf %parallel_loop3A_216, %gather3A_97 : vector<16xf32>
      %parallel_loop3A_218 = arith.index_cast %parallel_loop3A_213 : i32 to index
      %parallel_loop3A_219 = tpu.vector_load %arg5[%parallel_loop3A_218] {strides = array<i32>} : memref<8192xf32, #tpu.memory_space<vmem>>, vector<16xf32>,
      %parallel_loop3A_220 = vector.shape_cast %parallel_loop3A_219 : vector<16xf32> to vector<16xf32>
      %parallel_loop3A_221 = vector.shape_cast %parallel_loop3A_217 : vector<16xf32> to vector<16xf32>
      tpu.vector_store %arg5[%parallel_loop3A_218], %parallel_loop3A_221 {strides = array<i32>} : memref<8192xf32, #tpu.memory_space<vmem>>, vector<16xf32>,
    } {sc.loop_unroll_factor = 8 : i64, sc.parallel_access}
    %add3A_150 = arith.constant 4096 : i32
    %add3A_151 = arith.addi %mul3A_32, %add3A_150 : i32
    %dma_start3A_152 = arith.constant 4096 : i32
    %dma_start3A_153 = tpu.memref_slice %arg5[%dma_start3A_152] : memref<8192xf32, #tpu.memory_space<vmem>> -> memref<2048xf32, #tpu.memory_space<vmem>>
    %dma_start3A_154 = tpu.memref_slice %arg4[%select_n3A, %add3A_151] : memref<8x16384xf32, #tpu.memory_space<hbm>> -> memref<1x2048xf32, #tpu.memory_space<hbm>>
    %dma_start3A_155 = tpu.memref_squeeze %dma_start3A_154 : memref<1x2048xf32, #tpu.memory_space<hbm>> -> memref<2048xf32, #tpu.memory_space<hbm>>
    %dma_start3A_156 = tpu.memref_slice %arg4[%select_n3A, %add3A_151] : memref<8x16384xf32, #tpu.memory_space<hbm>> -> memref<1x2048xf32, #tpu.memory_space<hbm>>
    %dma_start3A_157 = tpu.memref_squeeze %dma_start3A_156 : memref<1x2048xf32, #tpu.memory_space<hbm>> -> memref<2048xf32, #tpu.memory_space<hbm>>
    %dma_start3A_158 = arith.constant 4096 : i32
    %dma_start3A_159 = tpu.memref_slice %arg5[%dma_start3A_158] : memref<8192xf32, #tpu.memory_space<vmem>> -> memref<2048xf32, #tpu.memory_space<vmem>>
    tpu.enqueue_dma source(%dma_start3A_159 : memref<2048xf32, #tpu.memory_space<vmem>>) target(%dma_start3A_157 : memref<2048xf32, #tpu.memory_space<hbm>>) target_semaphore(%arg9 : memref<!tpu.dma_semaphore, #tpu.memory_space<semaphore_mem>>)
    %dma_wait3A_160 = arith.constant 6144 : i32
    %dma_wait3A_161 = tpu.memref_slice %arg5[%dma_wait3A_160] : memref<8192xf32, #tpu.memory_space<vmem>> -> memref<2048xf32, #tpu.memory_space<vmem>>
    %dma_wait3A_162 = tpu.memref_slice %arg2[%select_n3A, %add3A_71] : memref<8x16384xf32, #tpu.memory_space<hbm>> -> memref<1x2048xf32, #tpu.memory_space<hbm>>
    %dma_wait3A_163 = tpu.memref_squeeze %dma_wait3A_162 : memref<1x2048xf32, #tpu.memory_space<hbm>> -> memref<2048xf32, #tpu.memory_space<hbm>>
    %dma_wait3A_164 = arith.constant 6144 : i32
    %dma_wait3A_165 = tpu.memref_slice %arg5[%dma_wait3A_164] : memref<8192xf32, #tpu.memory_space<vmem>> -> memref<2048xf32, #tpu.memory_space<vmem>>
    %dma_wait3A_166 = tpu.memref_slice %arg2[%select_n3A, %add3A_71] : memref<8x16384xf32, #tpu.memory_space<hbm>> -> memref<1x2048xf32, #tpu.memory_space<hbm>>
    %dma_wait3A_167 = tpu.memref_squeeze %dma_wait3A_166 : memref<1x2048xf32, #tpu.memory_space<hbm>> -> memref<2048xf32, #tpu.memory_space<hbm>>
    tpu.wait_dma2 semaphore(%arg8 : memref<!tpu.dma_semaphore, #tpu.memory_space<semaphore_mem>>) src(%dma_wait3A_167 : memref<2048xf32, #tpu.memory_space<hbm>>) dst(%dma_wait3A_165 : memref<2048xf32, #tpu.memory_space<vmem>>)
    %parallel_loop3A_168 = arith.constant 6144 : i32
    %parallel_loop3A_169 = arith.constant 8192 : i32
    %parallel_loop3A_170 = arith.constant 16 : i32
    scf.for %parallel_loop3A_213 = %parallel_loop3A_168 to %parallel_loop3A_169 step %parallel_loop3A_170  : i32 {
      %parallel_loop3A_214 = arith.index_cast %parallel_loop3A_213 : i32 to index
      %parallel_loop3A_215 = tpu.vector_load %arg5[%parallel_loop3A_214] {strides = array<i32>} : memref<8192xf32, #tpu.memory_space<vmem>>, vector<16xf32>,
      %parallel_loop3A_216 = vector.shape_cast %parallel_loop3A_215 : vector<16xf32> to vector<16xf32>
      %parallel_loop3A_217 = arith.mulf %parallel_loop3A_216, %gather3A_97 : vector<16xf32>
      %parallel_loop3A_218 = arith.index_cast %parallel_loop3A_213 : i32 to index
      %parallel_loop3A_219 = tpu.vector_load %arg5[%parallel_loop3A_218] {strides = array<i32>} : memref<8192xf32, #tpu.memory_space<vmem>>, vector<16xf32>,
      %parallel_loop3A_220 = vector.shape_cast %parallel_loop3A_219 : vector<16xf32> to vector<16xf32>
      %parallel_loop3A_221 = vector.shape_cast %parallel_loop3A_217 : vector<16xf32> to vector<16xf32>
      tpu.vector_store %arg5[%parallel_loop3A_218], %parallel_loop3A_221 {strides = array<i32>} : memref<8192xf32, #tpu.memory_space<vmem>>, vector<16xf32>,
    } {sc.loop_unroll_factor = 8 : i64, sc.parallel_access}
    %add3A_171 = arith.constant 6144 : i32
    %add3A_172 = arith.addi %mul3A_32, %add3A_171 : i32
    %dma_start3A_173 = arith.constant 6144 : i32
    %dma_start3A_174 = tpu.memref_slice %arg5[%dma_start3A_173] : memref<8192xf32, #tpu.memory_space<vmem>> -> memref<2048xf32, #tpu.memory_space<vmem>>
    %dma_start3A_175 = tpu.memref_slice %arg4[%select_n3A, %add3A_172] : memref<8x16384xf32, #tpu.memory_space<hbm>> -> memref<1x2048xf32, #tpu.memory_space<hbm>>
    %dma_start3A_176 = tpu.memref_squeeze %dma_start3A_175 : memref<1x2048xf32, #tpu.memory_space<hbm>> -> memref<2048xf32, #tpu.memory_space<hbm>>
    %dma_start3A_177 = tpu.memref_slice %arg4[%select_n3A, %add3A_172] : memref<8x16384xf32, #tpu.memory_space<hbm>> -> memref<1x2048xf32, #tpu.memory_space<hbm>>
    %dma_start3A_178 = tpu.memref_squeeze %dma_start3A_177 : memref<1x2048xf32, #tpu.memory_space<hbm>> -> memref<2048xf32, #tpu.memory_space<hbm>>
    %dma_start3A_179 = arith.constant 6144 : i32
    %dma_start3A_180 = tpu.memref_slice %arg5[%dma_start3A_179] : memref<8192xf32, #tpu.memory_space<vmem>> -> memref<2048xf32, #tpu.memory_space<vmem>>
    tpu.enqueue_dma source(%dma_start3A_180 : memref<2048xf32, #tpu.memory_space<vmem>>) target(%dma_start3A_178 : memref<2048xf32, #tpu.memory_space<hbm>>) target_semaphore(%arg9 : memref<!tpu.dma_semaphore, #tpu.memory_space<semaphore_mem>>)
    %dma_wait3A_181 = arith.constant 0 : i32
    %dma_wait3A_182 = tpu.memref_slice %arg5[%dma_wait3A_181] : memref<8192xf32, #tpu.memory_space<vmem>> -> memref<2048xf32, #tpu.memory_space<vmem>>
    %dma_wait3A_183 = tpu.memref_slice %arg4[%select_n3A, %add3A_109] : memref<8x16384xf32, #tpu.memory_space<hbm>> -> memref<1x2048xf32, #tpu.memory_space<hbm>>
    %dma_wait3A_184 = tpu.memref_squeeze %dma_wait3A_183 : memref<1x2048xf32, #tpu.memory_space<hbm>> -> memref<2048xf32, #tpu.memory_space<hbm>>
    %dma_wait3A_185 = tpu.memref_slice %arg4[%select_n3A, %add3A_109] : memref<8x16384xf32, #tpu.memory_space<hbm>> -> memref<1x2048xf32, #tpu.memory_space<hbm>>
    %dma_wait3A_186 = tpu.memref_squeeze %dma_wait3A_185 : memref<1x2048xf32, #tpu.memory_space<hbm>> -> memref<2048xf32, #tpu.memory_space<hbm>>
    %dma_wait3A_187 = arith.constant 0 : i32
    %dma_wait3A_188 = tpu.memref_slice %arg5[%dma_wait3A_187] : memref<8192xf32, #tpu.memory_space<vmem>> -> memref<2048xf32, #tpu.memory_space<vmem>>
    tpu.wait_dma2 semaphore(%arg9 : memref<!tpu.dma_semaphore, #tpu.memory_space<semaphore_mem>>) src(%dma_wait3A_188 : memref<2048xf32, #tpu.memory_space<vmem>>) dst(%dma_wait3A_186 : memref<2048xf32, #tpu.memory_space<hbm>>)
    %dma_wait3A_189 = arith.constant 2048 : i32
    %dma_wait3A_190 = tpu.memref_slice %arg5[%dma_wait3A_189] : memref<8192xf32, #tpu.memory_space<vmem>> -> memref<2048xf32, #tpu.memory_space<vmem>>
    %dma_wait3A_191 = tpu.memref_slice %arg4[%select_n3A, %add3A_130] : memref<8x16384xf32, #tpu.memory_space<hbm>> -> memref<1x2048xf32, #tpu.memory_space<hbm>>
    %dma_wait3A_192 = tpu.memref_squeeze %dma_wait3A_191 : memref<1x2048xf32, #tpu.memory_space<hbm>> -> memref<2048xf32, #tpu.memory_space<hbm>>
    %dma_wait3A_193 = tpu.memref_slice %arg4[%select_n3A, %add3A_130] : memref<8x16384xf32, #tpu.memory_space<hbm>> -> memref<1x2048xf32, #tpu.memory_space<hbm>>
    %dma_wait3A_194 = tpu.memref_squeeze %dma_wait3A_193 : memref<1x2048xf32, #tpu.memory_space<hbm>> -> memref<2048xf32, #tpu.memory_space<hbm>>
    %dma_wait3A_195 = arith.constant 2048 : i32
    %dma_wait3A_196 = tpu.memref_slice %arg5[%dma_wait3A_195] : memref<8192xf32, #tpu.memory_space<vmem>> -> memref<2048xf32, #tpu.memory_space<vmem>>
    tpu.wait_dma2 semaphore(%arg9 : memref<!tpu.dma_semaphore, #tpu.memory_space<semaphore_mem>>) src(%dma_wait3A_196 : memref<2048xf32, #tpu.memory_space<vmem>>) dst(%dma_wait3A_194 : memref<2048xf32, #tpu.memory_space<hbm>>)
    %dma_wait3A_197 = arith.constant 4096 : i32
    %dma_wait3A_198 = tpu.memref_slice %arg5[%dma_wait3A_197] : memref<8192xf32, #tpu.memory_space<vmem>> -> memref<2048xf32, #tpu.memory_space<vmem>>
    %dma_wait3A_199 = tpu.memref_slice %arg4[%select_n3A, %add3A_151] : memref<8x16384xf32, #tpu.memory_space<hbm>> -> memref<1x2048xf32, #tpu.memory_space<hbm>>
    %dma_wait3A_200 = tpu.memref_squeeze %dma_wait3A_199 : memref<1x2048xf32, #tpu.memory_space<hbm>> -> memref<2048xf32, #tpu.memory_space<hbm>>
    %dma_wait3A_201 = tpu.memref_slice %arg4[%select_n3A, %add3A_151] : memref<8x16384xf32, #tpu.memory_space<hbm>> -> memref<1x2048xf32, #tpu.memory_space<hbm>>
    %dma_wait3A_202 = tpu.memref_squeeze %dma_wait3A_201 : memref<1x2048xf32, #tpu.memory_space<hbm>> -> memref<2048xf32, #tpu.memory_space<hbm>>
    %dma_wait3A_203 = arith.constant 4096 : i32
    %dma_wait3A_204 = tpu.memref_slice %arg5[%dma_wait3A_203] : memref<8192xf32, #tpu.memory_space<vmem>> -> memref<2048xf32, #tpu.memory_space<vmem>>
    tpu.wait_dma2 semaphore(%arg9 : memref<!tpu.dma_semaphore, #tpu.memory_space<semaphore_mem>>) src(%dma_wait3A_204 : memref<2048xf32, #tpu.memory_space<vmem>>) dst(%dma_wait3A_202 : memref<2048xf32, #tpu.memory_space<hbm>>)
    %dma_wait3A_205 = arith.constant 6144 : i32
    %dma_wait3A_206 = tpu.memref_slice %arg5[%dma_wait3A_205] : memref<8192xf32, #tpu.memory_space<vmem>> -> memref<2048xf32, #tpu.memory_space<vmem>>
    %dma_wait3A_207 = tpu.memref_slice %arg4[%select_n3A, %add3A_172] : memref<8x16384xf32, #tpu.memory_space<hbm>> -> memref<1x2048xf32, #tpu.memory_space<hbm>>
    %dma_wait3A_208 = tpu.memref_squeeze %dma_wait3A_207 : memref<1x2048xf32, #tpu.memory_space<hbm>> -> memref<2048xf32, #tpu.memory_space<hbm>>
    %dma_wait3A_209 = tpu.memref_slice %arg4[%select_n3A, %add3A_172] : memref<8x16384xf32, #tpu.memory_space<hbm>> -> memref<1x2048xf32, #tpu.memory_space<hbm>>
    %dma_wait3A_210 = tpu.memref_squeeze %dma_wait3A_209 : memref<1x2048xf32, #tpu.memory_space<hbm>> -> memref<2048xf32, #tpu.memory_space<hbm>>
    %dma_wait3A_211 = arith.constant 6144 : i32
    %dma_wait3A_212 = tpu.memref_slice %arg5[%dma_wait3A_211] : memref<8192xf32, #tpu.memory_space<vmem>> -> memref<2048xf32, #tpu.memory_space<vmem>>
    tpu.wait_dma2 semaphore(%arg9 : memref<!tpu.dma_semaphore, #tpu.memory_space<semaphore_mem>>) src(%dma_wait3A_212 : memref<2048xf32, #tpu.memory_space<vmem>>) dst(%dma_wait3A_210 : memref<2048xf32, #tpu.memory_space<hbm>>)
    return
  }
}

</mosaic_0001>

<sc_bundles>
// kernel: kernel.3.cloned.1.call-start
scs
__scs_entry_jumppad:
0x0: {  	(pc) =	sbr.rel $0x88, $3  }
0x1: {  	(tag) =	ssettag $0x0;
	lr =	simm.s32 $0x1  }
0x2: {  	[smem:$0x3F9F] =	sst lr;
	_ =	strace $0xD0000000  }
0x3: {  	_ = 	snop  }
0x4: {  	_ = 	snop  }
0x5: {  	_ = 	snop  }
0x6: {  	_ = 	snop  }
0x7: {  	_ = 	snop  }
__scs_overlays_trampoline_lowered:
0x8: {  	[smem:$0x3FAE] =	sst s0  }
0x9: {  	[smem:$0x3FAF] =	sst s1  }
0xa: {  	[smem:$0x3FB0] =	sst s2  }
0xb: {  	[smem:$0x3FB1] =	sst s3  }
0xc: {  	[smem:$0x3FB2] =	sst s4  }
0xd: {  	[smem:$0x3FB3] =	sst s5  }
0xe: {  	[smem:$0x3FB4] =	sst s6  }
0xf: {  	[smem:$0x3FB5] =	sst s7  }
0x10: {  	[smem:$0x3FB6] =	sst s8  }
0x11: {  	[smem:$0x3FB7] =	sst s9;
	s0 =	simm.s32 @!p0 $0x0  }
0x12: {  	s1 =	sld [smem:$0x3F9D];
	s0 =	simm.s32 @p0 $0x1  }
0x13: {  	[smem:$0x3FB8] =	sst s0;
	s0 =	simm.s32 @!p1 $0x0  }
0x14: {  	s2 =	sld [smem:$0x3F9C];
	s0 =	simm.s32 @p1 $0x1  }
0x15: {  	[smem:$0x3FB9] =	sst s0;
	s0 =	simm.s32 @!p2 $0x0  }
0x16: {  	s3 =	sld [smem:$0x3FDB];
	s0 =	simm.s32 @p2 $0x1  }
0x17: {  	s4 =	simm.s32 $0x1BF5;
	[smem:$0x3FBB] =	sst s0  }
0x18: {  	s0 =	sld [smem:$0x3F9E];
	_ =	swait.ge [sflag:s4], $0x0  }
0x19: {  	s7 =	sld [smem:$0x3F9F]  }
0x1a: {  	s8 =	sadd.s32 $0xFFFFE003, lr  }
0x1b: {  	s9 =	sadd.s32 $0xFFFFFEF7, lr;
	s5 =	simm.s32 $0xFFFFFFFF;
	p2 =	slt.u32 s8, $0xFFFFF086  }
0x1c: {  	p1 =	slt.u32 s9, $0xF7A;
	s5 =	simm.s32 @!p2 $0x0  }
0x1d: {  	s5 =	simm.s32 @p1 $0x1;
	p0 =	seq.s32 s7, s2  }
0x1e: {  	s7 =	smul.u32 @!p0 $0xF7A, s2;
	p2 =	seq.s32 @!p0 s5, $0x0  }
0x1f: {  	s9 =	smul.u32 $0xF7A, s1;
	s8 =	simm.s32 @!p0 $0x1BF5;
	p2 =	por !p2, p0  }
0x20: {  	[sflag:s8] =	ssyncset.s32 @!p0 $0xFFFFF086;
	s6 =	sadd.s32 @!p0 s3, s7;
	s7 =	simm.s32 @!p0 $0x108  }
0x21: {  	s3 =	sadd.s32 s3, s9;
	s6 =	sadd.s32 @!p0 $0x88, s6;
	s7 =	simm.s32 @p2 $0x1082  }
0x22: {  	[simem:s7], [sflag:s8] =	dma.local @!p0 [hbm:s6], $0xF7A  }
0x23: {  	s9 =	sor.u32 $0xD0000000, s2;
	s6 =	simm.s32 $0x108;
	_ =	swait.ge @!p0 [sflag:s8], $0x0  }
0x24: {  	s3 =	sadd.s32 $0x88, s3;
	s6 =	simm.s32 @!p1 $0x1082;
	[sflag:s4] =	ssyncset.s32 $0xFFFFF086  }
0x25: {  	[simem:s6], [sflag:s4] =	dma.local [hbm:s3], $0xF7A  }
0x26: {  	[smem:$0x3F9F] =	sst s1;
	(tag) =	ssettag s2;
	_ =	strace s9  }
0x27: {  	s1 =	sld [smem:$0x3FAF]  }
0x28: {  	s2 =	sld [smem:$0x3FB0]  }
0x29: {  	s4 =	sld [smem:$0x3FB2]  }
0x2a: {  	p0 =	seq.s32 s5, $0x0;
	s5 =	sld [smem:$0x3FB3]  }
0x2b: {  	s6 =	sld [smem:$0x3FB4]  }
0x2c: {  	s7 =	sld [smem:$0x3FB5]  }
0x2d: {  	s3 =	simm.s32 $0x108;
	s8 =	sld [smem:$0x3FB6]  }
0x2e: {  	s3 =	simm.s32 @!p0 $0x1082;
	s9 =	sld [smem:$0x3FB7]  }
0x2f: {  	lr =	sadd.s32 s0, s3;
	s0 =	sld [smem:$0x3FAE]  }
0x30: {  	s3 =	sld [smem:$0x3FB1]  }
0x31: {  	[smem:$0x3FBA] =	sst s10  }
0x32: {  	s10 =	sld [smem:$0x3FB8];
	_ =	sdelay $0x3  }
0x33: {  	p0 =	seq.s32 s10, $0x1;
	s10 =	sld [smem:$0x3FBA];
	_ =	sdelay $0x3  }
0x34: {  	[smem:$0x3FBA] =	sst s10  }
0x35: {  	s10 =	sld [smem:$0x3FB9];
	_ =	sdelay $0x3  }
0x36: {  	p1 =	seq.s32 s10, $0x1;
	s10 =	sld [smem:$0x3FBA];
	_ =	sdelay $0x3  }
0x37: {  	[smem:$0x3FBA] =	sst s10  }
0x38: {  	s10 =	sld [smem:$0x3FBB]  }
0x39: {  	_ = 	snop;
	(pc) =	sbr.ind lr, $3  }
0x3a: {  	_ = 	snop  }
0x3b: {  	_ = 	snop  }
0x3c: {  	p2 =	seq.s32 s10, $0x1;
	s10 =	sld [smem:$0x3FBA]  }
0x3d: {  	_ =	shalt  }
0x3e: {  	_ =	shalt  }
0x3f: {  	_ =	shalt  }
0x40: {  	_ =	shalt  }
0x41: {  	_ =	shalt  }
0x42: {  	_ =	shalt  }
0x43: {  	_ =	shalt  }
0x44: {  	_ =	shalt  }
0x45: {  	_ =	shalt  }
0x46: {  	_ =	shalt  }
0x47: {  	_ =	shalt  }
0x48: {  	_ =	shalt  }
0x49: {  	_ =	shalt  }
0x4a: {  	_ =	shalt  }
0x4b: {  	_ =	shalt  }
0x4c: {  	_ =	shalt  }
0x4d: {  	_ =	shalt  }
0x4e: {  	_ =	shalt  }
0x4f: {  	_ =	shalt  }
0x50: {  	_ =	shalt  }
0x51: {  	_ =	shalt  }
0x52: {  	_ =	shalt  }
0x53: {  	_ =	shalt  }
0x54: {  	_ =	shalt  }
0x55: {  	_ =	shalt  }
0x56: {  	_ =	shalt  }
0x57: {  	_ =	shalt  }
0x58: {  	_ =	shalt  }
0x59: {  	_ =	shalt  }
0x5a: {  	_ =	shalt  }
0x5b: {  	_ =	shalt  }
0x5c: {  	_ =	shalt  }
0x5d: {  	_ =	shalt  }
0x5e: {  	_ =	shalt  }
0x5f: {  	_ =	shalt  }
0x60: {  	_ =	shalt  }
0x61: {  	_ =	shalt  }
0x62: {  	_ =	shalt  }
0x63: {  	_ =	shalt  }
0x64: {  	_ =	shalt  }
0x65: {  	_ =	shalt  }
0x66: {  	_ =	shalt  }
0x67: {  	_ =	shalt  }
0x68: {  	_ =	shalt  }
0x69: {  	_ =	shalt  }
0x6a: {  	_ =	shalt  }
0x6b: {  	_ =	shalt  }
0x6c: {  	_ =	shalt  }
0x6d: {  	_ =	shalt  }
0x6e: {  	_ =	shalt  }
0x6f: {  	_ =	shalt  }
0x70: {  	_ =	shalt  }
0x71: {  	_ =	shalt  }
0x72: {  	_ =	shalt  }
0x73: {  	_ =	shalt  }
0x74: {  	_ =	shalt  }
0x75: {  	_ =	shalt  }
0x76: {  	_ =	shalt  }
0x77: {  	_ =	shalt  }
0x78: {  	_ =	shalt  }
0x79: {  	_ =	shalt  }
0x7a: {  	_ =	shalt  }
0x7b: {  	_ =	shalt  }
0x7c: {  	_ =	shalt  }
0x7d: {  	_ =	shalt  }
0x7e: {  	_ =	shalt  }
0x7f: {  	_ =	shalt  }
0x80: {  	_ =	shalt  }
0x81: {  	_ =	shalt  }
0x82: {  	_ =	shalt  }
0x83: {  	_ =	shalt  }
0x84: {  	_ =	shalt  }
0x85: {  	_ =	shalt  }
0x86: {  	_ =	shalt  }
0x87: {  	_ =	shalt  }
.Lfunc_end0:
.L_simem_size_0:
called_computation_lowered:
.L_overlay_start_0:
0x88: {  	s0 =	sld [smem:$0x3FD9]  }
0x89: {  	s1 =	sld [smem:$0x3FFE];
	_ =	sdelay $0x3  }
0x8a: {  	s0 =	sadd.s32 s1, s0  }
0x8b: {  	[smem:$0x3FC6] =	sst s0  }
0x8c: {  	_ = 	snop  }
0x8d: {  	s0 =	sld [smem:$0x3FC9]  }
0x8e: {  	s17 =	sld [smem:$0x3FC8]  }
0x8f: {  	s2 =	sld [smem:$0x3FD0];
	(tm) =	ssettm $0x1  }
0x90: {  	s3 =	sld [smem:$0x3FFB];
	_ =	sdelay $0x3  }
0x91: {  	_ =	strace s3  }
0x92: {  	s3 =	sld [smem:$0x3FFC];
	_ =	sdelay $0x3  }
0x93: {  	_ =	strace s3  }
0x94: {  	s3 =	sld [smem:$0x3FFD];
	_ =	sdelay $0x3  }
0x95: {  	_ =	strace s3  }
0x96: {  	_ =	strace $0x8FFFFFFF  }
0x97: {  	s18 =	sld [smem:$0x3FDB];
	_ =	sdelay $0x1  }
0x98: {  	s4 =	simm.s32 $_scs_section_size  }
0x99: {  	s5 =	simm.s32 $_size__tile_overlayer_lowered;
	s6 =	simm.s32 $_tile_overlayer_lowered  }
0x9a: {  	s21 =	simm.s32 $0x1BFF;
	s20 =	sshll.u32 s6, $0x1;
	s3 =	sadd.s32 s4, s18  }
0x9b: {  	s7 =	simm.s32 $0x0;
	s19 =	sshll.u32 s5, $0x1;
	s5 =	sadd.s32 s20, s3  }
0x9c: {  	[timem:s7], [sflag:s21] =	dma.local [hbm:s5], s19  }
0x9d: {  	_ =	swait.ge [sflag:s21], s19  }
0x9e: {  	s4 =	ssub.s32 $0x0, s19;
	[sflag:s21] =	ssyncset.done $0x0  }
0x9f: {  	[sflag:s21] =	ssyncadd.s32 s4;
	_ =	sdelay $0x1  }
0xa0: {  	s22 =	simm.s32 $0x1B8B  }
0xa1: {  	_ =	swait.ge [sflag:s22], $0x1  }
0xa2: {  	[sflag:s22] =	ssyncset.done $0x0  }
0xa3: {  	s23 =	simm.s32 $0x1B8E;
	[sflag:s22] =	ssyncadd.s32 $0xFFFFFFFF  }
0xa4: {  	s24 =	simm.s32 $execute0_lowered;
	[smem:$0x3FD2] =	sst s23  }
0xa5: {  	s4 =	sshll.u32 s24, $0x1;
	_ =	strace $0x80000046;
	[dreg:$0x1] =	wrdreg $0xFFFFFFFF  }
0xa6: {  	s25 =	simm.s32 $_size_execute0_lowered;
	s3 =	sadd.s32 s3, s4;
	[dreg:$0x0] =	wrdreg $0x0  }
0xa7: {  	s4 =	sshll.u32 s25, $0x1;
	[dreg:$0x2] =	wrdreg s3  }
0xa8: {  	[dreg:$0x3] =	wrdreg s4  }
0xa9: {  	[dreg:$0x4] =	wrdreg $0xC0  }
0xaa: {  	_ =	task [dreg:s7], $0x5FFFF  }
0xab: {  	[dreg:$0x1] =	wrdreg $0xFFFFFFFF  }
0xac: {  	[dreg:$0x0] =	wrdreg $0x60  }
0xad: {  	[dreg:$0x2] =	wrdreg s0  }
0xae: {  	[dreg:$0x3] =	wrdreg s17  }
0xaf: {  	[dreg:$0x4] =	wrdreg s2  }
0xb0: {  	[dreg:$0x5] =	wrdreg $0x9  }
0xb1: {  	_ =	task.clear_ibuf [dreg:s7], $0x6FFFF;
	_ =	strace $0x90000046  }
0xb2: {  	s26 =	simm.s32 $0x9;
	_ =	strace $0x80000048  }
0xb3: {  	_ =	swait.ge [sflag:s26], $0x1  }
0xb4: {  	[sflag:s26] =	ssyncadd.s32 $0xFFFFFFFF  }
0xb5: {  	_ =	strace $0x90000048  }
0xb6: {  	_ =	sfence  }
0xb7: {  	s28 =	sld [smem:$0x0];
	_ =	sdelay $0x1  }
0xb8: {  	s29 =	srdreg.scid  }
0xb9: {  	s30 =	sshll.u32 s29, $0xD;
	s31 =	sshrl.u32 s29, $0x2  }
0xba: {  	s1 =	sand.u32 $0x1, s29;
	s2 =	sand.u32 $0x4000, s30;
	s0 =	sadd.s32 s31, s28  }
0xbb: {  	s1 =	sor.u32 s2, s1;
	s0 =	sshll.u32 s0, $0x11  }
0xbc: {  	s0 =	sor.u32 s0, s1  }
0xbd: {  	s0 =	sadd.s32 $0x8F2B, s0  }
0xbe: {  	[sflag:s0] =	ssyncadd.remote.s32 $0x1  }
0xbf: {  	_ =	sfence.sel $0xFFFF  }
0xc0: {  	[dreg:$0x0] =	wrdreg $0xFFFFFFFF;
	(pc) =	sbr.abs _section_cstart, $3  }
0xc1: {  	[dreg:$0x1] =	wrdreg $0xFFFFFFFF  }
0xc2: {  	_ =	task.clear_ibuf [dreg:s7], $0x2FFFF;
	_ =	strace $0x9FFFFFFF  }
0xc3: {  	(tm) =	ssettm $0x7FFFFFFF  }
tec
execute0_lowered:
.L_overlay_start_1:
0x0: {  	(tag) =	ssettag $0x1  }
0x1: {  	s7 =	rddreg [dreg:$0x0]  }
0x2: {  	s3 =	rddreg [dreg:$0x1]  }
0x3: {  	s2 =	rddreg [dreg:$0x2]  }
0x4: {  	s0 =	rddreg [dreg:$0x3]  }
0x5: {  	s1 =	stileid.u32;
	s4 =	simm.s32 $0x0;
	s23 =	simm.s32 $0x2000  }
0x6: {  	s8 =	sshrl.u32 s1, $0x1;
	s5 =	sshll.u32 s1, $0xD;
	[smem:$0x7FF] =	sst s4  }
0x7: {  	s5 =	sand.u32 $0x2000, s5;
	s6 =	sshll.u32 s8, $0x4;
	_ =	strace $0x80000047  }
0x8: {  	[tilespmem:s23], [sflag:$0x1] =	stream.linear.gather [hbm4b:s3+s4], $0x8, $0x38;
	[tilespmem:$0x2080] =	vst v63  }
0x9: {  	s24 =	simm.s32 $0x2008;
	s10 =	simm.s32 $0x80;
	s6 =	sor.u32 s5, s6  }
0xa: {  	[tilespmem:s24], [sflag:$0x1] =	stream.linear.gather [hbm4b:s3+s4], $0x8, $0x38;
	[tilespmem:$0x2080] =	vst v63  }
0xb: {  	s11 =	simm.s32 $0x400;
	s9 =	sadd.s32 s7, s6;
	s5 =	sor.u32 $0x800, s6  }
0xc: {  	[tilespmem:s4], [sflag:$0x2] =	stream.strided.gather [hbm4b:s9+s10], $0x800, s11, s10, $0x38;
	[tilespmem:$0x2080] =	vst v63  }
0xd: {  	s26 =	simm.s32 $0x800;
	s25 =	sadd.s32 s7, s5;
	s4 =	sor.u32 $0x1000, s6  }
0xe: {  	[tilespmem:s26], [sflag:$0x2] =	stream.strided.gather [hbm4b:s25+s10], $0x800, s11, s10, $0x38;
	[tilespmem:$0x2080] =	vst v63  }
0xf: {  	s12 =	simm.s32 $0x1000;
	s3 =	sor.u32 $0x1800, s6;
	s28 =	sadd.s32 s7, s4  }
0x10: {  	[tilespmem:s12], [sflag:$0x2] =	stream.strided.gather [hbm4b:s28+s10], $0x800, s11, s10, $0x38;
	[tilespmem:$0x2080] =	vst v63  }
0x11: {  	s29 =	simm.s32 $0x1800;
	s30 =	simm.s32 $0x1;
	s7 =	sadd.s32 s7, s3  }
0x12: {  	[tilespmem:s29], [sflag:$0x2] =	stream.strided.gather [hbm4b:s7+s10], $0x800, s11, s10, $0x38;
	[tilespmem:$0x2080] =	vst v63  }
0x13: {  	_ =	swait.ge [sflag:s30], $0x8  }
0x14: {  	[sflag:s30] =	ssyncset.done $0x0  }
0x15: {  	[sflag:s30] =	ssyncadd.s32 $0xFFFFFFF8  }
0x16: {  	_ =	swait.ge [sflag:s30], $0x8  }
0x17: {  	[sflag:s30] =	ssyncset.done $0x0  }
0x18: {  	s31 =	simm.s32 $0x2;
	[sflag:s30] =	ssyncadd.s32 $0xFFFFFFF8  }
0x19: {  	v0 =	vld [tilespmem:$0x2000];
	_ =	swait.ge [sflag:s31], $0x800  }
0x1a: {  	[sflag:s31] =	ssyncset.done $0x0  }
0x1b: {  	s7 =	simm.s32 $0x40;
	[sflag:s31] =	ssyncadd.s32 $0xFFFFF800  }
0x1c: {  	v3 =	vld [tilespmem:s7+$0x30]  }
0x1d: {  	v5 =	vld [tilespmem:s7+$0xFFFFFFD0]  }
0x1e: {  	v1 =	vmov s8;
	v7 =	vld [tilespmem:s7+$0xFFFFFFE0]  }
0x1f: {  	v4 =	vld [tilespmem:s7+$0xFFFFFFF0];
	v0 =	vperm.xlane v0, v1  }
0x20: {  	v2 =	vld [tilespmem:s7+$0x0]  }
0x21: {  	v1 =	vld [tilespmem:s7+$0x10];
	v8 =	vmul.f32 v3, v0  }
0x22: {  	v3 =	vld [tilespmem:s7+$0x20];
	v6 =	vmul.f32 v5, v0  }
0x23: {  	s8 =	simm.s32 $0x0;
	s9 =	simm.s32 $0xC0;
	v5 =	vld [tilespmem:s7+$0xFFFFFFC0];
	v7 =	vmul.f32 v7, v0;
	[tilespmem:s7+$0x30] =	vst v8  }
.LBB2_1:
0x24: {  	v8 =	vld [tilespmem:s9+$0x30];
	s8 =	sadd.s32 $0x80, s8;
	[tilespmem:s7+$0xFFFFFFD0] =	vst v6;
	v4 =	vmul.f32 v4, v0  }
0x25: {  	v6 =	vld [tilespmem:s9+$0xFFFFFFD0];
	p0 =	slt.u32 s8, $0x780;
	[tilespmem:s7+$0xFFFFFFE0] =	vst v7;
	v2 =	vmul.f32 v2, v0  }
0x26: {  	v7 =	vld [tilespmem:s9+$0xFFFFFFE0];
	[tilespmem:s7+$0xFFFFFFF0] =	vst v4;
	v1 =	vmul.f32 v1, v0  }
.Ltmp0:
0x27: {  	v4 =	vld [tilespmem:s9+$0xFFFFFFF0];
	[tilespmem:s7+$0x0] =	vst v2;
	v3 =	vmul.f32 v3, v0;
	(pc) =	sbr.rel @p0 .LBB2_1-.Ltmp0, $4  }
0x28: {  	v2 =	vld [tilespmem:s9+$0x0];
	v5 =	vmul.f32 v5, v0;
	[tilespmem:s7+$0x10] =	vst v1  }
0x29: {  	v1 =	vld [tilespmem:s9+$0x10];
	v8 =	vmul.f32 v8, v0;
	[tilespmem:s7+$0x20] =	vst v3  }
0x2a: {  	v6 =	vmul.f32 v6, v0;
	v3 =	vld [tilespmem:s9+$0x20];
	[tilespmem:s7+$0xFFFFFFC0] =	vst v5;
	s7 =	smov.u32 s9  }
0x2b: {  	s9 =	sadd.s32 $0x80, s9;
	v5 =	vld [tilespmem:s7+$0xFFFFFFC0];
	v7 =	vmul.f32 v7, v0;
	[tilespmem:s7+$0x30] =	vst v8  }
0x2c: {  	[tilespmem:s7+$0xFFFFFFD0] =	vst v6;
	v4 =	vmul.f32 v4, v0  }
0x2d: {  	[tilespmem:s7+$0xFFFFFFE0] =	vst v7;
	v2 =	vmul.f32 v2, v0  }
0x2e: {  	[tilespmem:s7+$0xFFFFFFF0] =	vst v4;
	v1 =	vmul.f32 v1, v0  }
0x2f: {  	[tilespmem:s7+$0x0] =	vst v2;
	v2 =	vmul.f32 v3, v0  }
0x30: {  	v3 =	vmul.f32 v5, v0;
	[tilespmem:s7+$0x10] =	vst v1  }
0x31: {  	s6 =	sadd.s32 s2, s6;
	s30 =	simm.s32 $0x80;
	[tilespmem:s7+$0x20] =	vst v2  }
0x32: {  	s8 =	simm.s32 $0x400;
	s9 =	simm.s32 $0x0;
	s31 =	simm.s32 $0x2;
	[tilespmem:s7+$0xFFFFFFC0] =	vst v3  }
0x33: {  	[hbm4b:s6+s30] =	stream.strided.scatter [tilespmem:s9], [sflag:$0x3], $0x800, s8, s30, $0x38;
	[tilespmem:$0x2080] =	vst v63  }
0x34: {  	_ =	swait.ge [sflag:s31], $0x800  }
0x35: {  	[sflag:s31] =	ssyncset.done $0x0  }
0x36: {  	s6 =	simm.s32 $0x870;
	[sflag:s31] =	ssyncadd.s32 $0xFFFFF800  }
0x37: {  	v3 =	vld [tilespmem:s6+$0x0]  }
0x38: {  	v5 =	vld [tilespmem:s6+$0xFFFFFFA0]  }
0x39: {  	v7 =	vld [tilespmem:s6+$0xFFFFFFB0]  }
0x3a: {  	v4 =	vld [tilespmem:s6+$0xFFFFFFC0]  }
0x3b: {  	v2 =	vld [tilespmem:s6+$0xFFFFFFD0]  }
0x3c: {  	v1 =	vld [tilespmem:s6+$0xFFFFFFE0];
	v8 =	vmul.f32 v3, v0  }
0x3d: {  	v3 =	vld [tilespmem:s6+$0xFFFFFFF0];
	v6 =	vmul.f32 v5, v0  }
0x3e: {  	s7 =	simm.s32 $0x800;
	s8 =	simm.s32 $0x8F0;
	v5 =	vld [tilespmem:s6+$0xFFFFFF90];
	v7 =	vmul.f32 v7, v0;
	[tilespmem:s6+$0x0] =	vst v8  }
.LBB2_3:
0x3f: {  	v8 =	vld [tilespmem:s8+$0x0];
	s7 =	sadd.s32 $0x80, s7;
	[tilespmem:s6+$0xFFFFFFA0] =	vst v6;
	v4 =	vmul.f32 v4, v0  }
0x40: {  	v6 =	vld [tilespmem:s8+$0xFFFFFFA0];
	p0 =	slt.u32 s7, $0xF80;
	[tilespmem:s6+$0xFFFFFFB0] =	vst v7;
	v2 =	vmul.f32 v2, v0  }
0x41: {  	v7 =	vld [tilespmem:s8+$0xFFFFFFB0];
	[tilespmem:s6+$0xFFFFFFC0] =	vst v4;
	v1 =	vmul.f32 v1, v0  }
.Ltmp1:
0x42: {  	v4 =	vld [tilespmem:s8+$0xFFFFFFC0];
	[tilespmem:s6+$0xFFFFFFD0] =	vst v2;
	v3 =	vmul.f32 v3, v0;
	(pc) =	sbr.rel @p0 .LBB2_3-.Ltmp1, $4  }
0x43: {  	v2 =	vld [tilespmem:s8+$0xFFFFFFD0];
	v5 =	vmul.f32 v5, v0;
	[tilespmem:s6+$0xFFFFFFE0] =	vst v1  }
0x44: {  	v1 =	vld [tilespmem:s8+$0xFFFFFFE0];
	v8 =	vmul.f32 v8, v0;
	[tilespmem:s6+$0xFFFFFFF0] =	vst v3  }
0x45: {  	v6 =	vmul.f32 v6, v0;
	v3 =	vld [tilespmem:s8+$0xFFFFFFF0];
	[tilespmem:s6+$0xFFFFFF90] =	vst v5;
	s6 =	smov.u32 s8  }
0x46: {  	s8 =	sadd.s32 $0x80, s8;
	v5 =	vld [tilespmem:s6+$0xFFFFFF90];
	v7 =	vmul.f32 v7, v0;
	[tilespmem:s6+$0x0] =	vst v8  }
0x47: {  	[tilespmem:s6+$0xFFFFFFA0] =	vst v6;
	v4 =	vmul.f32 v4, v0  }
0x48: {  	[tilespmem:s6+$0xFFFFFFB0] =	vst v7;
	v2 =	vmul.f32 v2, v0  }
0x49: {  	[tilespmem:s6+$0xFFFFFFC0] =	vst v4;
	v1 =	vmul.f32 v1, v0  }
0x4a: {  	[tilespmem:s6+$0xFFFFFFD0] =	vst v2;
	v2 =	vmul.f32 v3, v0  }
0x4b: {  	v3 =	vmul.f32 v5, v0;
	[tilespmem:s6+$0xFFFFFFE0] =	vst v1  }
0x4c: {  	s5 =	sadd.s32 s2, s5;
	s30 =	simm.s32 $0x80;
	[tilespmem:s6+$0xFFFFFFF0] =	vst v2  }
0x4d: {  	s7 =	simm.s32 $0x400;
	s8 =	simm.s32 $0x800;
	s31 =	simm.s32 $0x2;
	[tilespmem:s6+$0xFFFFFF90] =	vst v3  }
0x4e: {  	[hbm4b:s5+s30] =	stream.strided.scatter [tilespmem:s8], [sflag:$0x3], $0x800, s7, s30, $0x38;
	[tilespmem:$0x2080] =	vst v63  }
0x4f: {  	_ =	swait.ge [sflag:s31], $0x800  }
0x50: {  	[sflag:s31] =	ssyncset.done $0x0  }
0x51: {  	s5 =	simm.s32 $0x1070;
	[sflag:s31] =	ssyncadd.s32 $0xFFFFF800  }
0x52: {  	v3 =	vld [tilespmem:s5+$0x0]  }
0x53: {  	v5 =	vld [tilespmem:s5+$0xFFFFFFA0]  }
0x54: {  	v7 =	vld [tilespmem:s5+$0xFFFFFFB0]  }
0x55: {  	v4 =	vld [tilespmem:s5+$0xFFFFFFC0]  }
0x56: {  	v2 =	vld [tilespmem:s5+$0xFFFFFFD0]  }
0x57: {  	v1 =	vld [tilespmem:s5+$0xFFFFFFE0];
	v8 =	vmul.f32 v3, v0  }
0x58: {  	v3 =	vld [tilespmem:s5+$0xFFFFFFF0];
	v6 =	vmul.f32 v5, v0  }
0x59: {  	s6 =	simm.s32 $0x1000;
	s7 =	simm.s32 $0x10F0;
	v5 =	vld [tilespmem:s5+$0xFFFFFF90];
	v7 =	vmul.f32 v7, v0;
	[tilespmem:s5+$0x0] =	vst v8  }
.LBB2_5:
0x5a: {  	v8 =	vld [tilespmem:s7+$0x0];
	s6 =	sadd.s32 $0x80, s6;
	[tilespmem:s5+$0xFFFFFFA0] =	vst v6;
	v4 =	vmul.f32 v4, v0  }
0x5b: {  	v6 =	vld [tilespmem:s7+$0xFFFFFFA0];
	p0 =	slt.u32 s6, $0x1780;
	[tilespmem:s5+$0xFFFFFFB0] =	vst v7;
	v2 =	vmul.f32 v2, v0  }
0x5c: {  	v7 =	vld [tilespmem:s7+$0xFFFFFFB0];
	[tilespmem:s5+$0xFFFFFFC0] =	vst v4;
	v1 =	vmul.f32 v1, v0  }
.Ltmp2:
0x5d: {  	v4 =	vld [tilespmem:s7+$0xFFFFFFC0];
	[tilespmem:s5+$0xFFFFFFD0] =	vst v2;
	v3 =	vmul.f32 v3, v0;
	(pc) =	sbr.rel @p0 .LBB2_5-.Ltmp2, $4  }
0x5e: {  	v2 =	vld [tilespmem:s7+$0xFFFFFFD0];
	v5 =	vmul.f32 v5, v0;
	[tilespmem:s5+$0xFFFFFFE0] =	vst v1  }
0x5f: {  	v1 =	vld [tilespmem:s7+$0xFFFFFFE0];
	v8 =	vmul.f32 v8, v0;
	[tilespmem:s5+$0xFFFFFFF0] =	vst v3  }
0x60: {  	v6 =	vmul.f32 v6, v0;
	v3 =	vld [tilespmem:s7+$0xFFFFFFF0];
	[tilespmem:s5+$0xFFFFFF90] =	vst v5;
	s5 =	smov.u32 s7  }
0x61: {  	s7 =	sadd.s32 $0x80, s7;
	v5 =	vld [tilespmem:s5+$0xFFFFFF90];
	v7 =	vmul.f32 v7, v0;
	[tilespmem:s5+$0x0] =	vst v8  }
0x62: {  	[tilespmem:s5+$0xFFFFFFA0] =	vst v6;
	v4 =	vmul.f32 v4, v0  }
0x63: {  	[tilespmem:s5+$0xFFFFFFB0] =	vst v7;
	v2 =	vmul.f32 v2, v0  }
0x64: {  	[tilespmem:s5+$0xFFFFFFC0] =	vst v4;
	v1 =	vmul.f32 v1, v0  }
0x65: {  	[tilespmem:s5+$0xFFFFFFD0] =	vst v2;
	v2 =	vmul.f32 v3, v0  }
0x66: {  	v3 =	vmul.f32 v5, v0;
	[tilespmem:s5+$0xFFFFFFE0] =	vst v1  }
0x67: {  	s4 =	sadd.s32 s2, s4;
	s30 =	simm.s32 $0x80;
	[tilespmem:s5+$0xFFFFFFF0] =	vst v2  }
0x68: {  	s6 =	simm.s32 $0x400;
	s7 =	simm.s32 $0x1000;
	s31 =	simm.s32 $0x2;
	[tilespmem:s5+$0xFFFFFF90] =	vst v3  }
0x69: {  	[hbm4b:s4+s30] =	stream.strided.scatter [tilespmem:s7], [sflag:$0x3], $0x800, s6, s30, $0x38;
	[tilespmem:$0x2080] =	vst v63  }
0x6a: {  	_ =	swait.ge [sflag:s31], $0x800  }
0x6b: {  	[sflag:s31] =	ssyncset.done $0x0  }
0x6c: {  	s4 =	simm.s32 $0x1870;
	[sflag:s31] =	ssyncadd.s32 $0xFFFFF800  }
0x6d: {  	v3 =	vld [tilespmem:s4+$0x0]  }
0x6e: {  	v5 =	vld [tilespmem:s4+$0xFFFFFFA0]  }
0x6f: {  	v7 =	vld [tilespmem:s4+$0xFFFFFFB0]  }
0x70: {  	v4 =	vld [tilespmem:s4+$0xFFFFFFC0]  }
0x71: {  	v2 =	vld [tilespmem:s4+$0xFFFFFFD0]  }
0x72: {  	v1 =	vld [tilespmem:s4+$0xFFFFFFE0];
	v8 =	vmul.f32 v3, v0  }
0x73: {  	v3 =	vld [tilespmem:s4+$0xFFFFFFF0];
	v6 =	vmul.f32 v5, v0  }
0x74: {  	s5 =	simm.s32 $0x1800;
	s6 =	simm.s32 $0x18F0;
	v5 =	vld [tilespmem:s4+$0xFFFFFF90];
	v7 =	vmul.f32 v7, v0;
	[tilespmem:s4+$0x0] =	vst v8  }
.LBB2_7:
0x75: {  	v8 =	vld [tilespmem:s6+$0x0];
	s5 =	sadd.s32 $0x80, s5;
	[tilespmem:s4+$0xFFFFFFA0] =	vst v6;
	v4 =	vmul.f32 v4, v0  }
0x76: {  	v6 =	vld [tilespmem:s6+$0xFFFFFFA0];
	p0 =	slt.u32 s5, $0x1F80;
	[tilespmem:s4+$0xFFFFFFB0] =	vst v7;
	v2 =	vmul.f32 v2, v0  }
0x77: {  	v7 =	vld [tilespmem:s6+$0xFFFFFFB0];
	[tilespmem:s4+$0xFFFFFFC0] =	vst v4;
	v1 =	vmul.f32 v1, v0  }
.Ltmp3:
0x78: {  	v4 =	vld [tilespmem:s6+$0xFFFFFFC0];
	[tilespmem:s4+$0xFFFFFFD0] =	vst v2;
	v3 =	vmul.f32 v3, v0;
	(pc) =	sbr.rel @p0 .LBB2_7-.Ltmp3, $4  }
0x79: {  	v2 =	vld [tilespmem:s6+$0xFFFFFFD0];
	v5 =	vmul.f32 v5, v0;
	[tilespmem:s4+$0xFFFFFFE0] =	vst v1  }
0x7a: {  	v1 =	vld [tilespmem:s6+$0xFFFFFFE0];
	v8 =	vmul.f32 v8, v0;
	[tilespmem:s4+$0xFFFFFFF0] =	vst v3  }
0x7b: {  	v6 =	vmul.f32 v6, v0;
	v3 =	vld [tilespmem:s6+$0xFFFFFFF0];
	[tilespmem:s4+$0xFFFFFF90] =	vst v5;
	s4 =	smov.u32 s6  }
0x7c: {  	s6 =	sadd.s32 $0x80, s6;
	v5 =	vld [tilespmem:s4+$0xFFFFFF90];
	v7 =	vmul.f32 v7, v0;
	[tilespmem:s4+$0x0] =	vst v8  }
0x7d: {  	[tilespmem:s4+$0xFFFFFFA0] =	vst v6;
	v4 =	vmul.f32 v4, v0  }
0x7e: {  	[tilespmem:s4+$0xFFFFFFB0] =	vst v7;
	v2 =	vmul.f32 v2, v0  }
0x7f: {  	[tilespmem:s4+$0xFFFFFFC0] =	vst v4;
	v1 =	vmul.f32 v1, v0  }
0x80: {  	[tilespmem:s4+$0xFFFFFFD0] =	vst v2;
	v62 =	vmul.f32 v3, v0  }
0x81: {  	v63 =	vmul.f32 v5, v0;
	[tilespmem:s4+$0xFFFFFFE0] =	vst v1  }
0x82: {  	s2 =	sadd.s32 s2, s3;
	s29 =	simm.s32 $0x80;
	[tilespmem:s4+$0xFFFFFFF0] =	vst v62  }
0x83: {  	s30 =	simm.s32 $0x400;
	s5 =	simm.s32 $0x1800;
	s31 =	simm.s32 $0x3;
	[tilespmem:s4+$0xFFFFFF90] =	vst v63  }
0x84: {  	[hbm4b:s2+s29] =	stream.strided.scatter [tilespmem:s5], [sflag:$0x3], $0x800, s30, s29, $0x38;
	[tilespmem:$0x2080] =	vst v63  }
0x85: {  	_ =	swait.ge [sflag:s31], $0x800  }
0x86: {  	[sflag:s31] =	ssyncset.done $0x0  }
0x87: {  	[sflag:s31] =	ssyncadd.s32 $0xFFFFF800  }
0x88: {  	_ =	swait.ge [sflag:s31], $0x800  }
0x89: {  	[sflag:s31] =	ssyncset.done $0x0  }
0x8a: {  	[sflag:s31] =	ssyncadd.s32 $0xFFFFF800  }
0x8b: {  	_ =	swait.ge [sflag:s31], $0x800  }
0x8c: {  	[sflag:s31] =	ssyncset.done $0x0  }
0x8d: {  	[sflag:s31] =	ssyncadd.s32 $0xFFFFF800  }
0x8e: {  	_ =	swait.ge [sflag:s31], $0x800  }
0x8f: {  	[sflag:s31] =	ssyncset.done $0x0  }
0x90: {  	[sflag:s31] =	ssyncadd.s32 $0xFFFFF800  }
0x91: {  	_ =	sfence.sel $0x180000  }
0x92: {  	[bflag:$0x0] =	sbarrier.arrive $0xFFFF  }
0x93: {  	p0 =	sne.s32 s1, $0x0;
	_ =	strace $0x90000047  }
0x94: {  	s0 =	sadd.s32 @!p0 $0x100000, s0;
	[bflag:$0x2] =	sbarrier.arrive $0xFFFF  }
0x95: {  	[sflag:s0] =	ssyncadd.tile.s32 @!p0 $0x1;
	_ =	shalt  }
.Lfunc_end2:
_tile_overlayer_lowered:
.L_overlay_start_2:
0x96: {  	(tag) =	ssettag $0x2  }
0x97: {  	s0 =	rddreg [dreg:$0x0];
	s2 =	stileid.u32  }
0x98: {  	s1 =	rddreg [dreg:$0x1];
	p0 =	sne.s32 s2, $0x0  }
0x99: {  	s3 =	rddreg [dreg:$0x2];
	[bflag:$0x3] =	sbarrier.arrive $0xFFFF;
	s2 =	simm.s32 @!p0 $0x1C04  }
0x9a: {  	[timem:s3], [sflag:s2] =	dma.local @!p0 [hbm:s0], s1  }
0x9b: {  	s0 =	simm.s32 @!p0 $0x4  }
0x9c: {  	_ =	swait.ge @!p0 [sflag:s0], s1  }
0x9d: {  	s1 =	ssub.s32 @!p0 $0x0, s1;
	[sflag:s0] =	ssyncset.done @!p0 $0x0  }
0x9e: {  	[sflag:s0] =	ssyncadd.s32 @!p0 s1  }
0x9f: {  	[bflag:$0x3] =	sbarrier.arrive $0xFFFF  }
0xa0: {  	_ =	shalt  }

</sc_bundles>
